<compile_context>
chip_gen: v7x
topology: tpu7x:2x2x1
jax: 0.10.2.dev20260603
libtpu: 0.0.44.dev20260713+nightly
codegen_flags: <defaults>
</compile_context>

<pallas_src>
import functools

import jax
import jax.numpy as jnp
from jax import lax
from jax.experimental import pallas as pl
from jax.experimental.pallas import tpu as pltpu
from jax.experimental.pallas import tpu_sc as plsc

KERNEL, STRIDE, PADDING = 3, 2, 0
LANES = 16
NUM_WORKERS = 32


def _ceil(a, b):
    return (a + b - 1) // b


def _build(n_planes, in_plane, out_plane):
    assert in_plane % 8 == 1 and out_plane % 8 == 1
    assert n_planes % NUM_WORKERS == 0
    planes_per_worker = n_planes // NUM_WORKERS
    assert (planes_per_worker * out_plane) % 8 == 0
    n_groups = in_plane // LANES
    rem = in_plane - n_groups * LANES
    in_span = in_plane + 7
    out_span = out_plane + 7
    in_pad = in_span + 3 * LANES
    out_pad = _ceil(out_span + 8, LANES) * LANES

    mesh = plsc.VectorSubcoreMesh(core_axis_name="c", subcore_axis_name="s")

    @functools.partial(
        pl.kernel,
        out_type=jax.ShapeDtypeStruct((n_planes * out_plane,), jnp.float32),
        mesh=mesh,
        compiler_params=pltpu.CompilerParams(
            needs_layout_passes=False, use_tc_tiling_on_sc=False),
        scratch_types=[
            pltpu.VMEM((in_pad,), jnp.int32),
            pltpu.VMEM((in_pad,), jnp.float32),
            pltpu.VMEM((out_pad,), jnp.float32),
        ],
    )
    def unpool(keys_hbm, vals_hbm, out_hbm, keys_v, vals_v, plane_v):
        wid = lax.axis_index("s") * 2 + lax.axis_index("c")
        zeros = jnp.zeros((LANES,), jnp.float32)
        iota = lax.iota(jnp.int32, LANES)
        tail_valid = iota < rem
        tail_last = iota == rem - 1

        def zero_body(g, _):
            plane_v[pl.ds(g * LANES, LANES)] = zeros
            return 0
        lax.fori_loop(0, out_pad // LANES, zero_body, 0)

        def plane_body(j, _):
            p = wid * planes_per_worker + j
            r = p % 8
            in_start = pl.multiple_of(p * in_plane - r, 8)
            out_start = pl.multiple_of(p * out_plane - r, 8)
            pltpu.sync_copy(keys_hbm.at[pl.ds(in_start, in_span)],
                            keys_v.at[pl.ds(0, in_span)])
            pltpu.sync_copy(vals_hbm.at[pl.ds(in_start, in_span)],
                            vals_v.at[pl.ds(0, in_span)])

            def scatter_body(g, _):
                k = keys_v[pl.ds(r + g * LANES, LANES)]
                k_next = keys_v[pl.ds(r + g * LANES + 1, LANES)]
                v = vals_v[pl.ds(r + g * LANES, LANES)]
                plsc.store_scatter(plane_v, [k - out_start], v,
                                   mask=k != k_next)
                return 0
            lax.fori_loop(0, n_groups, scatter_body, 0)
            k = keys_v[pl.ds(r + n_groups * LANES, LANES)]
            k_next = keys_v[pl.ds(r + n_groups * LANES + 1, LANES)]
            v = vals_v[pl.ds(r + n_groups * LANES, LANES)]
            plsc.store_scatter(plane_v, [k - out_start], v,
                               mask=tail_valid & (tail_last | (k != k_next)))

            pltpu.sync_copy(plane_v.at[pl.ds(0, out_span)],
                            out_hbm.at[pl.ds(out_start, out_span)])

            tail_words = plane_v[pl.ds(out_span - 8, LANES)]

            def restore_body(g, _):
                k = keys_v[pl.ds(r + g * LANES, LANES)]
                plsc.store_scatter(plane_v, [k - out_start], zeros)
                return 0
            lax.fori_loop(0, n_groups, restore_body, 0)
            k = keys_v[pl.ds(r + n_groups * LANES, LANES)]
            plsc.store_scatter(plane_v, [k - out_start], zeros,
                               mask=tail_valid)

            r_next = (r + 1) % 8
            prefix = jnp.where(iota < r_next, tail_words, zeros)
            plane_v[pl.ds(0, LANES)] = prefix
            return 0

        lax.fori_loop(0, planes_per_worker, plane_body, 0)

    return unpool


def kernel(inputs, indices):
    B, C, H, W = inputs.shape
    Ho = (H - 1) * STRIDE - 2 * PADDING + KERNEL
    Wo = (W - 1) * STRIDE - 2 * PADDING + KERNEL
    n_planes = B * C
    in_plane = H * W
    out_plane = Ho * Wo
    vals = inputs.reshape(-1)
    idx = indices.reshape(n_planes, in_plane).astype(jnp.int32)
    offsets = (jnp.arange(n_planes, dtype=jnp.int32) * out_plane)[:, None]
    keys = (idx + offsets).reshape(-1)
    k_s, v_s = lax.sort((keys, vals), dimension=0, is_stable=False, num_keys=1)
    out = _build(n_planes, in_plane, out_plane)(k_s, v_s)
    return out.reshape(B, C, Ho, Wo)

# --- scband reference (transcript-rebuilt; emitter-appended) ---
"""Pipeline reference for scband-max-unpooling2-d-49022756717056 (READ-ONLY COPY).

The authoritative reference and input builder live on the scoring server;
editing this copy changes nothing except your own understanding.
"""

import jax, jax.numpy as jnp
import numpy as np

KERNEL, STRIDE, PADDING = 3, 2, 0

def setup_inputs(seed: int = 0) -> dict:
    key = jax.random.key(seed)
    k1, k2 = jax.random.split(key)
    B, C, H, W = 4, 384, 111, 111
    Ho = (H - 1) * STRIDE - 2 * PADDING + KERNEL
    Wo = (W - 1) * STRIDE - 2 * PADDING + KERNEL
    inputs = jax.random.normal(k1, (B, C, H, W), dtype=jnp.float32)
    indices = jax.random.randint(k2, (B, C, H, W), 0, Ho * Wo, dtype=jnp.int64)
    return {"inputs": inputs, "indices": indices}

def reference(inputs, indices):
    # Faithful translation of nn.MaxUnpool2d(kernel_size=3, stride=2, padding=0):
    # scatter input values into a zero output tensor at the flat spatial
    # positions given by `indices` (flat index within each (Ho*Wo) plane).
    B, C, H, W = inputs.shape
    Ho = (H - 1) * STRIDE - 2 * PADDING + KERNEL
    Wo = (W - 1) * STRIDE - 2 * PADDING + KERNEL
    plane = Ho * Wo
    n_planes = B * C
    flat_vals = inputs.reshape(n_planes, H * W)
    flat_idx = indices.reshape(n_planes, H * W)
    offsets = (jnp.arange(n_planes, dtype=flat_idx.dtype) * plane)[:, None]
    gidx = (flat_idx + offsets).reshape(-1)
    out = jnp.zeros((n_planes * plane,), dtype=inputs.dtype).at[gidx].set(flat_vals.reshape(-1))
    return out.reshape(B, C, Ho, Wo)

if __name__ == "__main__":
    import jax
    _d = setup_inputs()
    print(jax.jit(kernel)(*tuple(_d.values())))

</pallas_src>

<mosaic_0001>
#map = affine_map<(d0, d1) -> (0)>
module attributes {stable_mosaic.version = 14 : i64} {
  func.func @unpool(%arg0: i32, %arg1: i32, %arg2: memref<18925056xi32, #tpu.memory_space<hbm>>, %arg3: memref<18925056xf32, #tpu.memory_space<hbm>>, %arg4: memref<76383744xf32, #tpu.memory_space<hbm>>, %arg5: memref<12376xi32, #tpu.memory_space<vmem>>, %arg6: memref<12376xf32, #tpu.memory_space<vmem>>, %arg7: memref<49744xf32, #tpu.memory_space<vmem>>) attributes {dimension_semantics = [#tpu.dimension_semantics<core_parallel>, #tpu.dimension_semantics<subcore_parallel>], iteration_bounds = array<i64: 2, 16>, scalar_prefetch = 0 : i64, scratch_operands = 3 : i64, tpu.core_type = #tpu.core_type<sc_vector_subcore>, window_params = [{transform_indices = #map}, {transform_indices = #map}, {transform_indices = #map}]} {
    %mul3A = arith.constant 2 : i32
    %mul3A_0 = arith.muli %arg1, %mul3A : i32
    %add3A = arith.addi %mul3A_0, %arg0 : i32
    %broadcast_in_dim3A = arith.constant 0.000000e+00 : f32
    %broadcast_in_dim3A_1 = vector.broadcast %broadcast_in_dim3A : f32 to vector<16xf32>
    %iota3A = tpu.iota {dimensions = array<i32: 0>} : vector<16xi32>
    %lt3A = arith.constant 1 : i32
    %lt3A_2 = vector.broadcast %lt3A : i32 to vector<16xi32>
    %lt3A_3 = arith.cmpi slt, %iota3A, %lt3A_2 : vector<16xi32>
    %eq3A = arith.constant 0 : i32
    %eq3A_4 = vector.broadcast %eq3A : i32 to vector<16xi32>
    %eq3A_5 = arith.cmpi eq, %iota3A, %eq3A_4 : vector<16xi32>
    %scan3A = arith.constant 0 : i32
    %scan3A_6 = arith.constant 0 : i32
    %scan3A_7 = arith.constant 3109 : i32
    %scan3A_8 = arith.addi %scan3A_6, %scan3A_7 : i32
    %scan3A_9 = arith.constant 1 : i32
    %scan3A_10 = scf.for %scan3A_19 = %scan3A_6 to %scan3A_8 step %scan3A_9 iter_args(%scan3A_20 = %scan3A) -> (i32)  : i32 {
      %mul3A_21 = arith.constant 16 : i32
      %mul3A_22 = arith.muli %scan3A_19, %mul3A_21 : i32
      %swap3A = arith.index_cast %mul3A_22 : i32 to index
      %swap3A_23 = tpu.vector_load %arg7[%swap3A] {strides = array<i32>} : memref<49744xf32, #tpu.memory_space<vmem>>, vector<16xf32>,
      tpu.vector_store %arg7[%swap3A], %broadcast_in_dim3A_1 {strides = array<i32>} : memref<49744xf32, #tpu.memory_space<vmem>>, vector<16xf32>,
      %scan3A_24 = arith.constant 0 : i32
      scf.yield %scan3A_24 : i32
    }
    %scan3A_11 = arith.constant 3109 : i32
    %scan3A_12 = arith.constant 0 : i32
    %scan3A_13 = arith.constant 0 : i32
    %scan3A_14 = arith.constant 48 : i32
    %scan3A_15 = arith.addi %scan3A_13, %scan3A_14 : i32
    %scan3A_16 = arith.constant 1 : i32
    %scan3A_17 = scf.for %scan3A_19 = %scan3A_13 to %scan3A_15 step %scan3A_16 iter_args(%scan3A_20 = %scan3A_12) -> (i32)  : i32 {
      %mul3A_21 = arith.constant 48 : i32
      %mul3A_22 = arith.muli %add3A, %mul3A_21 : i32
      %add3A_23 = arith.addi %mul3A_22, %scan3A_19 : i32
      %jit3A = arith.constant 8 : i32
      %eq3A_24 = arith.constant 0 : i32
      %eq3A_25 = arith.cmpi eq, %jit3A, %eq3A_24 : i32
      %jit3A_26 = arith.constant 1 : i32
      %select_n3A = arith.select %eq3A_25, %jit3A_26, %jit3A : i32
      %rem3A = arith.remsi %add3A_23, %select_n3A : i32
      %ne3A = arith.constant 0 : i32
      %ne3A_27 = arith.cmpi ne, %rem3A, %ne3A : i32
      %lt3A_28 = arith.constant 0 : i32
      %lt3A_29 = arith.cmpi slt, %rem3A, %lt3A_28 : i32
      %lt3A_30 = arith.constant 0 : i32
      %lt3A_31 = arith.cmpi slt, %select_n3A, %lt3A_30 : i32
      %ne3A_32 = arith.xori %lt3A_29, %lt3A_31 : i1
      %and3A = arith.andi %ne3A_32, %ne3A_27 : i1
      %add3A_33 = arith.addi %rem3A, %select_n3A : i32
      %select_n3A_34 = arith.select %and3A, %add3A_33, %rem3A : i32
      %mul3A_35 = arith.constant 12321 : i32
      %mul3A_36 = arith.muli %add3A_23, %mul3A_35 : i32
      %sub3A = arith.subi %mul3A_36, %select_n3A_34 : i32
      %multiple_of3A = tpu.assume_multiple %sub3A, 8 : i32
      %mul3A_37 = arith.constant 49729 : i32
      %mul3A_38 = arith.muli %add3A_23, %mul3A_37 : i32
      %sub3A_39 = arith.subi %mul3A_38, %select_n3A_34 : i32
      %multiple_of3A_40 = tpu.assume_multiple %sub3A_39, 8 : i32
      "tpu.region"() ({
        %run_scoped3A = tpu.sem_alloc : memref<!tpu.dma_semaphore, #tpu.memory_space<semaphore_mem>>
        %dma_start3A = arith.constant 0 : i32
        %dma_start3A_103 = tpu.memref_slice %arg5[%dma_start3A] : memref<12376xi32, #tpu.memory_space<vmem>> -> memref<12328xi32, #tpu.memory_space<vmem>>
        %dma_start3A_104 = tpu.memref_slice %arg2[%multiple_of3A] : memref<18925056xi32, #tpu.memory_space<hbm>> -> memref<12328xi32, #tpu.memory_space<hbm>>
        %dma_start3A_105 = arith.constant 0 : i32
        %dma_start3A_106 = tpu.memref_slice %arg5[%dma_start3A_105] : memref<12376xi32, #tpu.memory_space<vmem>> -> memref<12328xi32, #tpu.memory_space<vmem>>
        %dma_start3A_107 = tpu.memref_slice %arg2[%multiple_of3A] : memref<18925056xi32, #tpu.memory_space<hbm>> -> memref<12328xi32, #tpu.memory_space<hbm>>
        tpu.enqueue_dma source(%dma_start3A_107 : memref<12328xi32, #tpu.memory_space<hbm>>) target(%dma_start3A_106 : memref<12328xi32, #tpu.memory_space<vmem>>) target_semaphore(%run_scoped3A : memref<!tpu.dma_semaphore, #tpu.memory_space<semaphore_mem>>)
        %dma_wait3A = arith.constant 0 : i32
        %dma_wait3A_108 = tpu.memref_slice %arg5[%dma_wait3A] : memref<12376xi32, #tpu.memory_space<vmem>> -> memref<12328xi32, #tpu.memory_space<vmem>>
        %dma_wait3A_109 = tpu.memref_slice %arg2[%multiple_of3A] : memref<18925056xi32, #tpu.memory_space<hbm>> -> memref<12328xi32, #tpu.memory_space<hbm>>
        %dma_wait3A_110 = arith.constant 0 : i32
        %dma_wait3A_111 = tpu.memref_slice %arg5[%dma_wait3A_110] : memref<12376xi32, #tpu.memory_space<vmem>> -> memref<12328xi32, #tpu.memory_space<vmem>>
        %dma_wait3A_112 = tpu.memref_slice %arg2[%multiple_of3A] : memref<18925056xi32, #tpu.memory_space<hbm>> -> memref<12328xi32, #tpu.memory_space<hbm>>
        tpu.wait_dma2 semaphore(%run_scoped3A : memref<!tpu.dma_semaphore, #tpu.memory_space<semaphore_mem>>) src(%dma_wait3A_112 : memref<12328xi32, #tpu.memory_space<hbm>>) dst(%dma_wait3A_111 : memref<12328xi32, #tpu.memory_space<vmem>>)
        tpu.yield
      }) : () -> ()
      "tpu.region"() ({
        %run_scoped3A = tpu.sem_alloc : memref<!tpu.dma_semaphore, #tpu.memory_space<semaphore_mem>>
        %dma_start3A = arith.constant 0 : i32
        %dma_start3A_103 = tpu.memref_slice %arg6[%dma_start3A] : memref<12376xf32, #tpu.memory_space<vmem>> -> memref<12328xf32, #tpu.memory_space<vmem>>
        %dma_start3A_104 = tpu.memref_slice %arg3[%multiple_of3A] : memref<18925056xf32, #tpu.memory_space<hbm>> -> memref<12328xf32, #tpu.memory_space<hbm>>
        %dma_start3A_105 = arith.constant 0 : i32
        %dma_start3A_106 = tpu.memref_slice %arg6[%dma_start3A_105] : memref<12376xf32, #tpu.memory_space<vmem>> -> memref<12328xf32, #tpu.memory_space<vmem>>
        %dma_start3A_107 = tpu.memref_slice %arg3[%multiple_of3A] : memref<18925056xf32, #tpu.memory_space<hbm>> -> memref<12328xf32, #tpu.memory_space<hbm>>
        tpu.enqueue_dma source(%dma_start3A_107 : memref<12328xf32, #tpu.memory_space<hbm>>) target(%dma_start3A_106 : memref<12328xf32, #tpu.memory_space<vmem>>) target_semaphore(%run_scoped3A : memref<!tpu.dma_semaphore, #tpu.memory_space<semaphore_mem>>)
        %dma_wait3A = arith.constant 0 : i32
        %dma_wait3A_108 = tpu.memref_slice %arg6[%dma_wait3A] : memref<12376xf32, #tpu.memory_space<vmem>> -> memref<12328xf32, #tpu.memory_space<vmem>>
        %dma_wait3A_109 = tpu.memref_slice %arg3[%multiple_of3A] : memref<18925056xf32, #tpu.memory_space<hbm>> -> memref<12328xf32, #tpu.memory_space<hbm>>
        %dma_wait3A_110 = arith.constant 0 : i32
        %dma_wait3A_111 = tpu.memref_slice %arg6[%dma_wait3A_110] : memref<12376xf32, #tpu.memory_space<vmem>> -> memref<12328xf32, #tpu.memory_space<vmem>>
        %dma_wait3A_112 = tpu.memref_slice %arg3[%multiple_of3A] : memref<18925056xf32, #tpu.memory_space<hbm>> -> memref<12328xf32, #tpu.memory_space<hbm>>
        tpu.wait_dma2 semaphore(%run_scoped3A : memref<!tpu.dma_semaphore, #tpu.memory_space<semaphore_mem>>) src(%dma_wait3A_112 : memref<12328xf32, #tpu.memory_space<hbm>>) dst(%dma_wait3A_111 : memref<12328xf32, #tpu.memory_space<vmem>>)
        tpu.yield
      }) : () -> ()
      %scan3A_41 = arith.constant 0 : i32
      %scan3A_42 = arith.constant 0 : i32
      %scan3A_43 = arith.constant 770 : i32
      %scan3A_44 = arith.addi %scan3A_42, %scan3A_43 : i32
      %scan3A_45 = arith.constant 1 : i32
      %scan3A_46 = scf.for %scan3A_103 = %scan3A_42 to %scan3A_44 step %scan3A_45 iter_args(%scan3A_104 = %scan3A_41) -> (i32)  : i32 {
        %mul3A_105 = arith.constant 16 : i32
        %mul3A_106 = arith.muli %scan3A_103, %mul3A_105 : i32
        %add3A_107 = arith.addi %select_n3A_34, %mul3A_106 : i32
        %get3A_108 = arith.index_cast %add3A_107 : i32 to index
        %get3A_109 = tpu.vector_load %arg5[%get3A_108] {strides = array<i32>} : memref<12376xi32, #tpu.memory_space<vmem>>, vector<16xi32>,
        %mul3A_110 = arith.constant 16 : i32
        %mul3A_111 = arith.muli %scan3A_103, %mul3A_110 : i32
        %add3A_112 = arith.addi %select_n3A_34, %mul3A_111 : i32
        %add3A_113 = arith.constant 1 : i32
        %add3A_114 = arith.addi %add3A_112, %add3A_113 : i32
        %get3A_115 = arith.index_cast %add3A_114 : i32 to index
        %get3A_116 = tpu.vector_load %arg5[%get3A_115] {strides = array<i32>} : memref<12376xi32, #tpu.memory_space<vmem>>, vector<16xi32>,
        %mul3A_117 = arith.constant 16 : i32
        %mul3A_118 = arith.muli %scan3A_103, %mul3A_117 : i32
        %add3A_119 = arith.addi %select_n3A_34, %mul3A_118 : i32
        %get3A_120 = arith.index_cast %add3A_119 : i32 to index
        %get3A_121 = tpu.vector_load %arg6[%get3A_120] {strides = array<i32>} : memref<12376xf32, #tpu.memory_space<vmem>>, vector<16xf32>,
        %sub3A_122 = vector.broadcast %multiple_of3A_40 : i32 to vector<16xi32>
        %sub3A_123 = arith.subi %get3A_109, %sub3A_122 : vector<16xi32>
        %ne3A_124 = arith.cmpi ne, %get3A_109, %get3A_116 : vector<16xi32>
        tpu.vector_store_idx %arg7[%sub3A_123], %get3A_121 masked %ne3A_124 : memref<49744xf32, #tpu.memory_space<vmem>>[vector<16xi32>], vector<16xf32>, vector<16xi1>
        %scan3A_125 = arith.constant 0 : i32
        scf.yield %scan3A_125 : i32
      }
      %scan3A_47 = arith.constant 770 : i32
      %add3A_48 = arith.constant 12320 : i32
      %add3A_49 = arith.addi %select_n3A_34, %add3A_48 : i32
      %get3A = arith.index_cast %add3A_49 : i32 to index
      %get3A_50 = tpu.vector_load %arg5[%get3A] {strides = array<i32>} : memref<12376xi32, #tpu.memory_space<vmem>>, vector<16xi32>,
      %add3A_51 = arith.constant 12320 : i32
      %add3A_52 = arith.addi %select_n3A_34, %add3A_51 : i32
      %add3A_53 = arith.constant 1 : i32
      %add3A_54 = arith.addi %add3A_52, %add3A_53 : i32
      %get3A_55 = arith.index_cast %add3A_54 : i32 to index
      %get3A_56 = tpu.vector_load %arg5[%get3A_55] {strides = array<i32>} : memref<12376xi32, #tpu.memory_space<vmem>>, vector<16xi32>,
      %add3A_57 = arith.constant 12320 : i32
      %add3A_58 = arith.addi %select_n3A_34, %add3A_57 : i32
      %get3A_59 = arith.index_cast %add3A_58 : i32 to index
      %get3A_60 = tpu.vector_load %arg6[%get3A_59] {strides = array<i32>} : memref<12376xf32, #tpu.memory_space<vmem>>, vector<16xf32>,
      %sub3A_61 = vector.broadcast %multiple_of3A_40 : i32 to vector<16xi32>
      %sub3A_62 = arith.subi %get3A_50, %sub3A_61 : vector<16xi32>
      %ne3A_63 = arith.cmpi ne, %get3A_50, %get3A_56 : vector<16xi32>
      %or3A = arith.ori %eq3A_5, %ne3A_63 : vector<16xi1>
      %and3A_64 = arith.andi %lt3A_3, %or3A : vector<16xi1>
      tpu.vector_store_idx %arg7[%sub3A_62], %get3A_60 masked %and3A_64 : memref<49744xf32, #tpu.memory_space<vmem>>[vector<16xi32>], vector<16xf32>, vector<16xi1>
      "tpu.region"() ({
        %run_scoped3A = tpu.sem_alloc : memref<!tpu.dma_semaphore, #tpu.memory_space<semaphore_mem>>
        %dma_start3A = arith.constant 0 : i32
        %dma_start3A_103 = tpu.memref_slice %arg7[%dma_start3A] : memref<49744xf32, #tpu.memory_space<vmem>> -> memref<49736xf32, #tpu.memory_space<vmem>>
        %dma_start3A_104 = tpu.memref_slice %arg4[%multiple_of3A_40] : memref<76383744xf32, #tpu.memory_space<hbm>> -> memref<49736xf32, #tpu.memory_space<hbm>>
        %dma_start3A_105 = tpu.memref_slice %arg4[%multiple_of3A_40] : memref<76383744xf32, #tpu.memory_space<hbm>> -> memref<49736xf32, #tpu.memory_space<hbm>>
        %dma_start3A_106 = arith.constant 0 : i32
        %dma_start3A_107 = tpu.memref_slice %arg7[%dma_start3A_106] : memref<49744xf32, #tpu.memory_space<vmem>> -> memref<49736xf32, #tpu.memory_space<vmem>>
        tpu.enqueue_dma source(%dma_start3A_107 : memref<49736xf32, #tpu.memory_space<vmem>>) target(%dma_start3A_105 : memref<49736xf32, #tpu.memory_space<hbm>>) target_semaphore(%run_scoped3A : memref<!tpu.dma_semaphore, #tpu.memory_space<semaphore_mem>>)
        %dma_wait3A = arith.constant 0 : i32
        %dma_wait3A_108 = tpu.memref_slice %arg7[%dma_wait3A] : memref<49744xf32, #tpu.memory_space<vmem>> -> memref<49736xf32, #tpu.memory_space<vmem>>
        %dma_wait3A_109 = tpu.memref_slice %arg4[%multiple_of3A_40] : memref<76383744xf32, #tpu.memory_space<hbm>> -> memref<49736xf32, #tpu.memory_space<hbm>>
        %dma_wait3A_110 = tpu.memref_slice %arg4[%multiple_of3A_40] : memref<76383744xf32, #tpu.memory_space<hbm>> -> memref<49736xf32, #tpu.memory_space<hbm>>
        %dma_wait3A_111 = arith.constant 0 : i32
        %dma_wait3A_112 = tpu.memref_slice %arg7[%dma_wait3A_111] : memref<49744xf32, #tpu.memory_space<vmem>> -> memref<49736xf32, #tpu.memory_space<vmem>>
        tpu.wait_dma2 semaphore(%run_scoped3A : memref<!tpu.dma_semaphore, #tpu.memory_space<semaphore_mem>>) src(%dma_wait3A_112 : memref<49736xf32, #tpu.memory_space<vmem>>) dst(%dma_wait3A_110 : memref<49736xf32, #tpu.memory_space<hbm>>)
        tpu.yield
      }) : () -> ()
      %get3A_65 = arith.constant 49728 : index
      %get3A_66 = tpu.vector_load %arg7[%get3A_65] {strides = array<i32>} : memref<49744xf32, #tpu.memory_space<vmem>>, vector<16xf32>,
      %scan3A_67 = arith.constant 0 : i32
      %scan3A_68 = arith.constant 0 : i32
      %scan3A_69 = arith.constant 770 : i32
      %scan3A_70 = arith.addi %scan3A_68, %scan3A_69 : i32
      %scan3A_71 = arith.constant 1 : i32
      %scan3A_72 = scf.for %scan3A_103 = %scan3A_68 to %scan3A_70 step %scan3A_71 iter_args(%scan3A_104 = %scan3A_67) -> (i32)  : i32 {
        %mul3A_105 = arith.constant 16 : i32
        %mul3A_106 = arith.muli %scan3A_103, %mul3A_105 : i32
        %add3A_107 = arith.addi %select_n3A_34, %mul3A_106 : i32
        %get3A_108 = arith.index_cast %add3A_107 : i32 to index
        %get3A_109 = tpu.vector_load %arg5[%get3A_108] {strides = array<i32>} : memref<12376xi32, #tpu.memory_space<vmem>>, vector<16xi32>,
        %sub3A_110 = vector.broadcast %multiple_of3A_40 : i32 to vector<16xi32>
        %sub3A_111 = arith.subi %get3A_109, %sub3A_110 : vector<16xi32>
        tpu.vector_store_idx %arg7[%sub3A_111], %broadcast_in_dim3A_1 : memref<49744xf32, #tpu.memory_space<vmem>>[vector<16xi32>], vector<16xf32>,
        %scan3A_112 = arith.constant 0 : i32
        scf.yield %scan3A_112 : i32
      }
      %scan3A_73 = arith.constant 770 : i32
      %add3A_74 = arith.constant 12320 : i32
      %add3A_75 = arith.addi %select_n3A_34, %add3A_74 : i32
      %get3A_76 = arith.index_cast %add3A_75 : i32 to index
      %get3A_77 = tpu.vector_load %arg5[%get3A_76] {strides = array<i32>} : memref<12376xi32, #tpu.memory_space<vmem>>, vector<16xi32>,
      %sub3A_78 = vector.broadcast %multiple_of3A_40 : i32 to vector<16xi32>
      %sub3A_79 = arith.subi %get3A_77, %sub3A_78 : vector<16xi32>
      tpu.vector_store_idx %arg7[%sub3A_79], %broadcast_in_dim3A_1 masked %lt3A_3 : memref<49744xf32, #tpu.memory_space<vmem>>[vector<16xi32>], vector<16xf32>, vector<16xi1>
      %add3A_80 = arith.constant 1 : i32
      %add3A_81 = arith.addi %select_n3A_34, %add3A_80 : i32
      %jit3A_82 = arith.constant 8 : i32
      %eq3A_83 = arith.constant 0 : i32
      %eq3A_84 = arith.cmpi eq, %jit3A_82, %eq3A_83 : i32
      %jit3A_85 = arith.constant 1 : i32
      %select_n3A_86 = arith.select %eq3A_84, %jit3A_85, %jit3A_82 : i32
      %rem3A_87 = arith.remsi %add3A_81, %select_n3A_86 : i32
      %ne3A_88 = arith.constant 0 : i32
      %ne3A_89 = arith.cmpi ne, %rem3A_87, %ne3A_88 : i32
      %lt3A_90 = arith.constant 0 : i32
      %lt3A_91 = arith.cmpi slt, %rem3A_87, %lt3A_90 : i32
      %lt3A_92 = arith.constant 0 : i32
      %lt3A_93 = arith.cmpi slt, %select_n3A_86, %lt3A_92 : i32
      %ne3A_94 = arith.xori %lt3A_91, %lt3A_93 : i1
      %and3A_95 = arith.andi %ne3A_94, %ne3A_89 : i1
      %add3A_96 = arith.addi %rem3A_87, %select_n3A_86 : i32
      %select_n3A_97 = arith.select %and3A_95, %add3A_96, %rem3A_87 : i32
      %lt3A_98 = vector.broadcast %select_n3A_97 : i32 to vector<16xi32>
      %lt3A_99 = arith.cmpi slt, %iota3A, %lt3A_98 : vector<16xi32>
      %select_n3A_100 = arith.select %lt3A_99, %get3A_66, %broadcast_in_dim3A_1 : vector<16xi1>, vector<16xf32>
      %swap3A = arith.constant 0 : index
      %swap3A_101 = tpu.vector_load %arg7[%swap3A] {strides = array<i32>} : memref<49744xf32, #tpu.memory_space<vmem>>, vector<16xf32>,
      tpu.vector_store %arg7[%swap3A], %select_n3A_100 {strides = array<i32>} : memref<49744xf32, #tpu.memory_space<vmem>>, vector<16xf32>,
      %scan3A_102 = arith.constant 0 : i32
      scf.yield %scan3A_102 : i32
    }
    %scan3A_18 = arith.constant 48 : i32
    return
  }
}

</mosaic_0001>

<sc_bundles>
// kernel: kernel.3.cloned.1.call-start
scs
__scs_entry_jumppad:
0x0: {  	(pc) =	sbr.rel $0x88, $3  }
0x1: {  	(tag) =	ssettag $0x0;
	lr =	simm.s32 $0x1  }
0x2: {  	[smem:$0x3F9F] =	sst lr;
	_ =	strace $0xD0000000  }
0x3: {  	_ = 	snop  }
0x4: {  	_ = 	snop  }
0x5: {  	_ = 	snop  }
0x6: {  	_ = 	snop  }
0x7: {  	_ = 	snop  }
__scs_overlays_trampoline_lowered:
0x8: {  	[smem:$0x3FAE] =	sst s0  }
0x9: {  	[smem:$0x3FAF] =	sst s1  }
0xa: {  	[smem:$0x3FB0] =	sst s2  }
0xb: {  	[smem:$0x3FB1] =	sst s3  }
0xc: {  	[smem:$0x3FB2] =	sst s4  }
0xd: {  	[smem:$0x3FB3] =	sst s5  }
0xe: {  	[smem:$0x3FB4] =	sst s6  }
0xf: {  	[smem:$0x3FB5] =	sst s7  }
0x10: {  	[smem:$0x3FB6] =	sst s8  }
0x11: {  	[smem:$0x3FB7] =	sst s9;
	s0 =	simm.s32 @!p0 $0x0  }
0x12: {  	s1 =	sld [smem:$0x3F9D];
	s0 =	simm.s32 @p0 $0x1  }
0x13: {  	[smem:$0x3FB8] =	sst s0;
	s0 =	simm.s32 @!p1 $0x0  }
0x14: {  	s2 =	sld [smem:$0x3F9C];
	s0 =	simm.s32 @p1 $0x1  }
0x15: {  	[smem:$0x3FB9] =	sst s0;
	s0 =	simm.s32 @!p2 $0x0  }
0x16: {  	s3 =	sld [smem:$0x3FDB];
	s0 =	simm.s32 @p2 $0x1  }
0x17: {  	s4 =	simm.s32 $0x1BF5;
	[smem:$0x3FBB] =	sst s0  }
0x18: {  	s0 =	sld [smem:$0x3F9E];
	_ =	swait.ge [sflag:s4], $0x0  }
0x19: {  	s7 =	sld [smem:$0x3F9F]  }
0x1a: {  	s8 =	sadd.s32 $0xFFFFE003, lr  }
0x1b: {  	s9 =	sadd.s32 $0xFFFFFEF7, lr;
	s5 =	simm.s32 $0xFFFFFFFF;
	p2 =	slt.u32 s8, $0xFFFFF086  }
0x1c: {  	p1 =	slt.u32 s9, $0xF7A;
	s5 =	simm.s32 @!p2 $0x0  }
0x1d: {  	s5 =	simm.s32 @p1 $0x1;
	p0 =	seq.s32 s7, s2  }
0x1e: {  	s7 =	smul.u32 @!p0 $0xF7A, s2;
	p2 =	seq.s32 @!p0 s5, $0x0  }
0x1f: {  	s9 =	smul.u32 $0xF7A, s1;
	s8 =	simm.s32 @!p0 $0x1BF5;
	p2 =	por !p2, p0  }
0x20: {  	[sflag:s8] =	ssyncset.s32 @!p0 $0xFFFFF086;
	s6 =	sadd.s32 @!p0 s3, s7;
	s7 =	simm.s32 @!p0 $0x108  }
0x21: {  	s3 =	sadd.s32 s3, s9;
	s6 =	sadd.s32 @!p0 $0x88, s6;
	s7 =	simm.s32 @p2 $0x1082  }
0x22: {  	[simem:s7], [sflag:s8] =	dma.local @!p0 [hbm:s6], $0xF7A  }
0x23: {  	s9 =	sor.u32 $0xD0000000, s2;
	s6 =	simm.s32 $0x108;
	_ =	swait.ge @!p0 [sflag:s8], $0x0  }
0x24: {  	s3 =	sadd.s32 $0x88, s3;
	s6 =	simm.s32 @!p1 $0x1082;
	[sflag:s4] =	ssyncset.s32 $0xFFFFF086  }
0x25: {  	[simem:s6], [sflag:s4] =	dma.local [hbm:s3], $0xF7A  }
0x26: {  	[smem:$0x3F9F] =	sst s1;
	(tag) =	ssettag s2;
	_ =	strace s9  }
0x27: {  	s1 =	sld [smem:$0x3FAF]  }
0x28: {  	s2 =	sld [smem:$0x3FB0]  }
0x29: {  	s4 =	sld [smem:$0x3FB2]  }
0x2a: {  	p0 =	seq.s32 s5, $0x0;
	s5 =	sld [smem:$0x3FB3]  }
0x2b: {  	s6 =	sld [smem:$0x3FB4]  }
0x2c: {  	s7 =	sld [smem:$0x3FB5]  }
0x2d: {  	s3 =	simm.s32 $0x108;
	s8 =	sld [smem:$0x3FB6]  }
0x2e: {  	s3 =	simm.s32 @!p0 $0x1082;
	s9 =	sld [smem:$0x3FB7]  }
0x2f: {  	lr =	sadd.s32 s0, s3;
	s0 =	sld [smem:$0x3FAE]  }
0x30: {  	s3 =	sld [smem:$0x3FB1]  }
0x31: {  	[smem:$0x3FBA] =	sst s10  }
0x32: {  	s10 =	sld [smem:$0x3FB8];
	_ =	sdelay $0x3  }
0x33: {  	p0 =	seq.s32 s10, $0x1;
	s10 =	sld [smem:$0x3FBA];
	_ =	sdelay $0x3  }
0x34: {  	[smem:$0x3FBA] =	sst s10  }
0x35: {  	s10 =	sld [smem:$0x3FB9];
	_ =	sdelay $0x3  }
0x36: {  	p1 =	seq.s32 s10, $0x1;
	s10 =	sld [smem:$0x3FBA];
	_ =	sdelay $0x3  }
0x37: {  	[smem:$0x3FBA] =	sst s10  }
0x38: {  	s10 =	sld [smem:$0x3FBB]  }
0x39: {  	_ = 	snop;
	(pc) =	sbr.ind lr, $3  }
0x3a: {  	_ = 	snop  }
0x3b: {  	_ = 	snop  }
0x3c: {  	p2 =	seq.s32 s10, $0x1;
	s10 =	sld [smem:$0x3FBA]  }
0x3d: {  	_ =	shalt  }
0x3e: {  	_ =	shalt  }
0x3f: {  	_ =	shalt  }
0x40: {  	_ =	shalt  }
0x41: {  	_ =	shalt  }
0x42: {  	_ =	shalt  }
0x43: {  	_ =	shalt  }
0x44: {  	_ =	shalt  }
0x45: {  	_ =	shalt  }
0x46: {  	_ =	shalt  }
0x47: {  	_ =	shalt  }
0x48: {  	_ =	shalt  }
0x49: {  	_ =	shalt  }
0x4a: {  	_ =	shalt  }
0x4b: {  	_ =	shalt  }
0x4c: {  	_ =	shalt  }
0x4d: {  	_ =	shalt  }
0x4e: {  	_ =	shalt  }
0x4f: {  	_ =	shalt  }
0x50: {  	_ =	shalt  }
0x51: {  	_ =	shalt  }
0x52: {  	_ =	shalt  }
0x53: {  	_ =	shalt  }
0x54: {  	_ =	shalt  }
0x55: {  	_ =	shalt  }
0x56: {  	_ =	shalt  }
0x57: {  	_ =	shalt  }
0x58: {  	_ =	shalt  }
0x59: {  	_ =	shalt  }
0x5a: {  	_ =	shalt  }
0x5b: {  	_ =	shalt  }
0x5c: {  	_ =	shalt  }
0x5d: {  	_ =	shalt  }
0x5e: {  	_ =	shalt  }
0x5f: {  	_ =	shalt  }
0x60: {  	_ =	shalt  }
0x61: {  	_ =	shalt  }
0x62: {  	_ =	shalt  }
0x63: {  	_ =	shalt  }
0x64: {  	_ =	shalt  }
0x65: {  	_ =	shalt  }
0x66: {  	_ =	shalt  }
0x67: {  	_ =	shalt  }
0x68: {  	_ =	shalt  }
0x69: {  	_ =	shalt  }
0x6a: {  	_ =	shalt  }
0x6b: {  	_ =	shalt  }
0x6c: {  	_ =	shalt  }
0x6d: {  	_ =	shalt  }
0x6e: {  	_ =	shalt  }
0x6f: {  	_ =	shalt  }
0x70: {  	_ =	shalt  }
0x71: {  	_ =	shalt  }
0x72: {  	_ =	shalt  }
0x73: {  	_ =	shalt  }
0x74: {  	_ =	shalt  }
0x75: {  	_ =	shalt  }
0x76: {  	_ =	shalt  }
0x77: {  	_ =	shalt  }
0x78: {  	_ =	shalt  }
0x79: {  	_ =	shalt  }
0x7a: {  	_ =	shalt  }
0x7b: {  	_ =	shalt  }
0x7c: {  	_ =	shalt  }
0x7d: {  	_ =	shalt  }
0x7e: {  	_ =	shalt  }
0x7f: {  	_ =	shalt  }
0x80: {  	_ =	shalt  }
0x81: {  	_ =	shalt  }
0x82: {  	_ =	shalt  }
0x83: {  	_ =	shalt  }
0x84: {  	_ =	shalt  }
0x85: {  	_ =	shalt  }
0x86: {  	_ =	shalt  }
0x87: {  	_ =	shalt  }
.Lfunc_end0:
.L_simem_size_0:
called_computation.1_lowered:
.L_overlay_start_0:
0x88: {  	s2 =	sld [smem:$0x3FD9]  }
0x89: {  	s3 =	sld [smem:$0x3FFE];
	_ =	sdelay $0x1  }
0x8a: {  	s1 =	srdreg.scid  }
0x8b: {  	s0 =	sand.u32 $0x1, s1  }
0x8c: {  	s17 =	sshll.u32 s0, $0xA;
	s2 =	sadd.s32 s3, s2  }
0x8d: {  	s2 =	sadd.s32 s2, s17  }
0x8e: {  	[smem:$0x3FC6] =	sst s2  }
0x8f: {  	_ = 	snop  }
0x90: {  	s2 =	sld [smem:$0x3FD0];
	(tm) =	ssettm $0x1  }
0x91: {  	s18 =	sld [smem:$0x3FFB];
	_ =	sdelay $0x3  }
0x92: {  	_ =	strace s18  }
0x93: {  	s3 =	sld [smem:$0x3FFC];
	_ =	sdelay $0x3  }
0x94: {  	_ =	strace s3  }
0x95: {  	s3 =	sld [smem:$0x3FFD];
	_ =	sdelay $0x3  }
0x96: {  	_ =	strace s3  }
0x97: {  	_ =	strace $0x8FFFFFFF  }
0x98: {  	s19 =	sld [smem:$0x3FDB];
	_ =	sdelay $0x1  }
0x99: {  	s4 =	simm.s32 $_scs_section_size  }
0x9a: {  	s5 =	simm.s32 $_size__tile_overlayer_lowered;
	s6 =	simm.s32 $_tile_overlayer_lowered  }
0x9b: {  	s22 =	simm.s32 $0x1BFF;
	s21 =	sshll.u32 s6, $0x1;
	s3 =	sadd.s32 s4, s19  }
0x9c: {  	s7 =	simm.s32 $0x0;
	s20 =	sshll.u32 s5, $0x1;
	s5 =	sadd.s32 s21, s3  }
0x9d: {  	[timem:s7], [sflag:s22] =	dma.local [hbm:s5], s20  }
0x9e: {  	_ =	swait.ge [sflag:s22], s20  }
0x9f: {  	s4 =	ssub.s32 $0x0, s20;
	[sflag:s22] =	ssyncset.done $0x0  }
0xa0: {  	[sflag:s22] =	ssyncadd.s32 s4;
	_ =	sdelay $0x1  }
0xa1: {  	s23 =	simm.s32 $0x1B8B  }
0xa2: {  	_ =	swait.ge [sflag:s23], $0x1  }
0xa3: {  	[sflag:s23] =	ssyncset.done $0x0  }
0xa4: {  	s25 =	simm.s32 $0x1B8E;
	s24 =	sld [smem:$0x3FFE];
	[sflag:s23] =	ssyncadd.s32 $0xFFFFFFFF  }
0xa5: {  	s26 =	simm.s32 $execute0_lowered;
	[smem:$0x3FD2] =	sst s25  }
0xa6: {  	s5 =	sshll.u32 s26, $0x1;
	_ =	strace $0x80000046;
	[dreg:$0x1] =	wrdreg $0xFFFFFFFF  }
0xa7: {  	s28 =	simm.s32 $_size_execute0_lowered;
	s3 =	sadd.s32 s3, s5;
	[dreg:$0x0] =	wrdreg $0x0  }
0xa8: {  	s5 =	sshll.u32 s28, $0x1;
	[dreg:$0x2] =	wrdreg s3  }
0xa9: {  	[dreg:$0x3] =	wrdreg s5  }
0xaa: {  	[dreg:$0x4] =	wrdreg $0xC0  }
0xab: {  	_ =	task [dreg:s7], $0x5FFFF  }
0xac: {  	[dreg:$0x1] =	wrdreg $0xFFFFFFFF  }
0xad: {  	[dreg:$0x0] =	wrdreg $0x60  }
0xae: {  	[dreg:$0x2] =	wrdreg s2  }
0xaf: {  	[dreg:$0x3] =	wrdreg s24  }
0xb0: {  	[dreg:$0x4] =	wrdreg $0x9  }
0xb1: {  	_ =	task.clear_ibuf [dreg:s7], $0x5FFFF;
	_ =	strace $0x90000046  }
0xb2: {  	s29 =	simm.s32 $0x9;
	_ =	strace $0x80000048  }
0xb3: {  	_ =	swait.ge [sflag:s29], $0x1  }
0xb4: {  	[sflag:s29] =	ssyncadd.s32 $0xFFFFFFFF  }
0xb5: {  	_ =	strace $0x90000048  }
0xb6: {  	_ =	sfence  }
0xb7: {  	s30 =	sld [smem:$0x0];
	_ =	sdelay $0x2  }
0xb8: {  	s31 =	sshll.u32 s1, $0xD;
	s1 =	sshrl.u32 s1, $0x2  }
0xb9: {  	s3 =	sand.u32 $0x4000, s31;
	s1 =	sadd.s32 s1, s30  }
0xba: {  	s0 =	sor.u32 s3, s0;
	s1 =	sshll.u32 s1, $0x11  }
0xbb: {  	s0 =	sor.u32 s1, s0  }
0xbc: {  	s0 =	sadd.s32 $0x8F2B, s0  }
0xbd: {  	[sflag:s0] =	ssyncadd.remote.s32 $0x1  }
0xbe: {  	_ =	sfence.sel $0xFFFF  }
0xbf: {  	[dreg:$0x0] =	wrdreg $0xFFFFFFFF;
	(pc) =	sbr.abs _section_cstart, $3  }
0xc0: {  	[dreg:$0x1] =	wrdreg $0xFFFFFFFF  }
0xc1: {  	_ =	task.clear_ibuf [dreg:s7], $0x2FFFF;
	_ =	strace $0x9FFFFFFF  }
0xc2: {  	(tm) =	ssettm $0x7FFFFFFF  }
0xc3: {  	_ =	shalt  }
tec
execute0_lowered:
.L_overlay_start_1:
0x0: {  	(tag) =	ssettag $0x1  }
0x1: {  	s1 =	rddreg [dreg:$0x0]  }
0x2: {  	s5 =	rddreg [dreg:$0x1];
	s2 =	srdreg.scid  }
0x3: {  	s0 =	rddreg [dreg:$0x2];
	s3 =	simm.s32 $0x0;
	s10 =	simm.s32 $0x60B0  }
0x4: {  	s6 =	sand.u32 $0x1, s2;
	[smem:$0x7FF] =	sst s3;
	s2 =	stileid.u32  }
0x5: {  	s4 =	sadd.s32 $0x242C00, s5;
	s5 =	sadd.s32 $0x484600, s5;
	s7 =	ssub.s32 $0x2, s6  }
0x6: {  	_ =	strace $0x80000047;
	s9 =	sshll.u32 s2, $0x1;
	s8 =	sshrl.u32 s7, $0x1  }
0x7: {  	s6 =	sor.u32 s6, s9;
	s9 =	simm.s32 $0x3058;
	s7 =	ssub.s32 s7, s8  }
0x8: {  	v0 =	vimm.f32 $0.0e+00;
	v1 =	vlaneseq.u32;
	s6 =	smul.u32 $0x30, s6;
	s8 =	simm.s32 $0x1;
	s7 =	smax.u32 s7, $0x1  }
.LBB2_1:
0x9: {  	s11 =	simm.s32 $0x40;
	s12 =	simm.s32 $0x0  }
.LBB2_2:
0xa: {  	p0 =	sne.s32 s11, $0x30900;
	[tilespmem:s12+$0x60B0] =	vst v0;
	s12 =	smov.u32 s11;
	s11 =	sadd.s32 $0x40, s11  }
.Ltmp0:
0xb: {  	(pc) =	sbr.rel @p0 .LBB2_2-.Ltmp0, $2  }
0xc: {  	_ =	sdelay $0x2  }
0xd: {  	s12 =	sshra.s32 s12, $0x2  }
0xe: {  	[tilespmem:s12+$0x60B0] =	vst v0;
	s11 =	simm.s32 $0x0;
	s12 =	simm.s32 $0x0;
	s13 =	simm.s32 $0x0  }
.LBB2_4:
0xf: {  	s15 =	sadd.s32 s6, s13  }
0x10: {  	s16 =	smul.u32 $0x3021, s15  }
0x11: {  	s14 =	sand.u32 $0x7, s13  }
0x12: {  	s16 =	ssub.s32 s16, s14  }
0x13: {  	s16 =	sshrl.u32 s16, $0x3  }
0x14: {  	s17 =	sadd.s32 s1, s16  }
0x15: {  	[tilespmem:s11], [sflag:$0x1] =	stream.linear.gather [hbm4b:s17+s11], $0x3028, $0x38;
	[tilespmem:$0x12300] =	vst v63  }
0x16: {  	_ =	swait.ge [sflag:s8], $0x3028  }
0x17: {  	s30 =	sand.u32 $0x7, s12;
	[sflag:s8] =	ssyncset.done $0x0  }
0x18: {  	v2 =	vmov s30;
	s16 =	sadd.s32 s4, s16;
	[sflag:s8] =	ssyncadd.s32 $0xFFFFCFD8  }
0x19: {  	[tilespmem:s9], [sflag:$0x1] =	stream.linear.gather [hbm4b:s16+s11], $0x3028, $0x38;
	[tilespmem:$0x12300] =	vst v63  }
0x1a: {  	s15 =	smul.u32 $0xC241, s15;
	_ =	swait.ge [sflag:s8], $0x3028  }
0x1b: {  	s31 =	sor.u32 $0x3058, s30;
	[sflag:s8] =	ssyncset.done $0x0  }
0x1c: {  	s15 =	ssub.s32 s15, s14;
	s17 =	simm.s32 $0x0;
	[sflag:s8] =	ssyncadd.s32 $0xFFFFCFD8  }
0x1d: {  	v4 =	vmov s31;
	v3 =	vmov s15;
	s16 =	simm.s32 $0x40;
	v5 =	vld.idx.msk [tilespmem:v2+s17+$0x1 ss:$0x1], $0xffff  }
.LBB2_5:
0x1e: {  	p0 =	sne.s32 s16, $0xC040;
	v6 =	vld.idx.msk [tilespmem:v2+s17+$0x0 ss:$0x1], $0xffff;
	_ =	sdelay $0x5  }
0x1f: {  	vm0 =	vne.s32 v6, v5;
	v7 =	vld.idx.msk [tilespmem:v4+s17+$0x0 ss:$0x1], $0xffff  }
0x20: {  	v5 =	vsub.s32 v6, v3;
	_ =	sdelay $0x1  }
.Ltmp1:
0x21: {  	(pc) =	sbr.rel @p0 .LBB2_5-.Ltmp1, $3  }
0x22: {  	_ =	sdelay $0x1  }
0x23: {  	s17 =	sshra.s32 s16, $0x2;
	[tilespmem:v5+s10+$0x0] =	vst.idx.msk vm0, v7  }
0x24: {  	s16 =	sadd.s32 $0x40, s16;
	v5 =	vld.idx.msk [tilespmem:v2+s17+$0x1 ss:$0x1], $0xffff  }
0x25: {  	_ =	sdelay $0x3  }
0x26: {  	v6 =	vld.idx.msk [tilespmem:v2+s17+$0x0 ss:$0x1], $0xffff;
	_ =	sdelay $0x4  }
0x27: {  	vm0 =	vne.s32 v6, v5  }
0x28: {  	v4 =	vld.idx.msk [tilespmem:v4+s17+$0x0 ss:$0x1], $0xffff;
	v5 =	vsub.s32 v6, v3;
	_ =	sdelay $0x4  }
0x29: {  	[tilespmem:v5+s10+$0x0] =	vst.idx.msk vm0, v4  }
0x2a: {  	v4 =	vld [tilespmem:s14+$0x3020];
	_ =	sdelay $0x4  }
0x2b: {  	v5 =	vld [tilespmem:s14+$0x6078];
	v4 =	vsub.s32 v4, v3;
	_ =	sdelay $0x3  }
0x2c: {  	s15 =	sshrl.u32 s15, $0x3  }
0x2d: {  	s16 =	simm.s32 $0x0;
	s15 =	sadd.s32 s5, s15;
	[tilespmem:v4+s10+$0x0] =	vst.idx.msk $0x1, v5  }
0x2e: {  	[hbm4b:s15+s16] =	stream.linear.scatter [tilespmem:s10], [sflag:$0x1], $0xC248, $0x38;
	[tilespmem:$0x12300] =	vst v63  }
0x2f: {  	_ =	swait.ge [sflag:s8], $0xC248  }
0x30: {  	[sflag:s8] =	ssyncset.done $0x0  }
0x31: {  	[sflag:s8] =	ssyncadd.s32 $0xFFFF3DB8  }
0x32: {  	s14 =	sor.u32 $0x3020, s14;
	s16 =	simm.s32 $0x0;
	s15 =	simm.s32 $0x40;
	v4 =	vld [tilespmem:$0x122F0]  }
.LBB2_7:
0x33: {  	p0 =	sne.s32 s15, $0xC040;
	v5 =	vld.idx.msk [tilespmem:v2+s16+$0x0 ss:$0x1], $0xffff;
	_ =	sdelay $0x5  }
0x34: {  	v5 =	vsub.s32 v5, v3  }
.Ltmp2:
0x35: {  	(pc) =	sbr.rel @p0 .LBB2_7-.Ltmp2, $2  }
0x36: {  	_ =	sdelay $0x2  }
0x37: {  	s16 =	sshra.s32 s15, $0x2;
	s15 =	sadd.s32 $0x40, s15;
	[tilespmem:v5+s10+$0x0] =	vst.idx.msk $0xffff, v0  }
0x38: {  	_ =	sdelay $0x3  }
0x39: {  	v2 =	vld.idx.msk [tilespmem:v2+s16+$0x0 ss:$0x1], $0xffff;
	_ =	sdelay $0x4  }
0x3a: {  	v2 =	vsub.s32 v2, v3;
	_ =	sdelay $0x4  }
0x3b: {  	[tilespmem:v2+s10+$0x0] =	vst.idx.msk $0xffff, v0  }
0x3c: {  	v2 =	vld [tilespmem:s14+$0x0];
	_ =	sdelay $0x4  }
0x3d: {  	s13 =	sadd.s32 $0x1, s13;
	v2 =	vsub.s32 v2, v3  }
0x3e: {  	p0 =	sne.s32 s13, $0x30  }
.Ltmp3:
0x3f: {  	s31 =	sand.u32 $0x7, s13;
	(pc) =	sbr.rel @p0 .LBB2_4-.Ltmp3, $4  }
0x40: {  	v3 =	vmov s31  }
0x41: {  	vm0 =	vgt.u32 v3, v1  }
0x42: {  	[tilespmem:v2+s10+$0x0] =	vst.idx.msk $0x1, v0;
	v2 =	vnsel vm0, $0x0, v4  }
0x43: {  	s12 =	sadd.s32 $0x1, s12;
	[tilespmem:$0x60B0] =	vst v2  }
0x44: {  	s3 =	sadd.s32 $0x1, s3  }
0x45: {  	p0 =	sne.s32 s3, s7  }
.Ltmp4:
0x46: {  	_ = 	snop;
	(pc) =	sbr.rel @p0 .LBB2_1-.Ltmp4, $1  }
0x47: {  	_ =	sdelay $0x3  }
0x48: {  	_ =	sfence.sel $0x180000  }
0x49: {  	[bflag:$0x0] =	sbarrier.arrive $0xFFFF  }
0x4a: {  	p0 =	sne.s32 s2, $0x0;
	_ =	strace $0x90000047  }
0x4b: {  	s0 =	sadd.s32 @!p0 $0x100000, s0;
	[bflag:$0x2] =	sbarrier.arrive $0xFFFF  }
0x4c: {  	[sflag:s0] =	ssyncadd.tile.s32 @!p0 $0x1;
	_ =	shalt  }
.Lfunc_end2:
_tile_overlayer_lowered:
.L_overlay_start_2:
0x4d: {  	(tag) =	ssettag $0x2  }
0x4e: {  	s0 =	rddreg [dreg:$0x0];
	s2 =	stileid.u32  }
0x4f: {  	s1 =	rddreg [dreg:$0x1];
	p0 =	sne.s32 s2, $0x0  }
0x50: {  	s3 =	rddreg [dreg:$0x2];
	[bflag:$0x3] =	sbarrier.arrive $0xFFFF;
	s2 =	simm.s32 @!p0 $0x1C01  }
0x51: {  	[timem:s3], [sflag:s2] =	dma.local @!p0 [hbm:s0], s1  }
0x52: {  	s0 =	simm.s32 @!p0 $0x1  }
0x53: {  	_ =	swait.ge @!p0 [sflag:s0], s1  }
0x54: {  	s1 =	ssub.s32 @!p0 $0x0, s1;
	[sflag:s0] =	ssyncset.done @!p0 $0x0  }
0x55: {  	[sflag:s0] =	ssyncadd.s32 @!p0 s1  }
0x56: {  	[bflag:$0x3] =	sbarrier.arrive $0xFFFF  }
0x57: {  	_ =	shalt  }

// kernel: sparse-core-data-format-call.cloned.1.call-start
scs
called_computation_lowered:
.L_overlay_start_0:
0x0: {  	s2 =	sld [smem:$0x3FD9]  }
0x1: {  	s3 =	sld [smem:$0x3FFE];
	_ =	sdelay $0x1  }
0x2: {  	s1 =	srdreg.scid  }
0x3: {  	s0 =	sand.u32 $0x1, s1  }
0x4: {  	s18 =	sshll.u32 s0, $0xA;
	s2 =	sadd.s32 s3, s2  }
0x5: {  	s2 =	sadd.s32 s2, s18  }
0x6: {  	[smem:$0x3FC6] =	sst s2  }
0x7: {  	_ = 	snop  }
0x8: {  	s2 =	sld [smem:$0x3FD0];
	(tm) =	ssettm $0x1  }
0x9: {  	s19 =	sld [smem:$0x3FFB];
	_ =	sdelay $0x3  }
0xa: {  	_ =	strace s19  }
0xb: {  	s3 =	sld [smem:$0x3FFC];
	_ =	sdelay $0x3  }
0xc: {  	_ =	strace s3  }
0xd: {  	s3 =	sld [smem:$0x3FFD];
	_ =	sdelay $0x3  }
0xe: {  	_ =	strace s3  }
0xf: {  	_ =	strace $0x8FFFFFFF  }
0x10: {  	s20 =	sld [smem:$0x3FDB];
	_ =	sdelay $0x1  }
0x11: {  	s4 =	simm.s32 $_scs_section_size  }
0x12: {  	s5 =	simm.s32 $_size__tile_overlayer_lowered;
	s6 =	simm.s32 $_tile_overlayer_lowered  }
0x13: {  	s23 =	simm.s32 $0x1BFF;
	s22 =	sshll.u32 s6, $0x1;
	s3 =	sadd.s32 s4, s20  }
0x14: {  	s7 =	simm.s32 $0x0;
	s21 =	sshll.u32 s5, $0x1;
	s5 =	sadd.s32 s22, s3  }
0x15: {  	[timem:s7], [sflag:s23] =	dma.local [hbm:s5], s21  }
0x16: {  	_ =	swait.ge [sflag:s23], s21  }
0x17: {  	s4 =	ssub.s32 $0x0, s21;
	[sflag:s23] =	ssyncset.done $0x0  }
0x18: {  	[sflag:s23] =	ssyncadd.s32 s4;
	_ =	sdelay $0x1  }
0x19: {  	s24 =	simm.s32 $0x1B8B  }
0x1a: {  	_ =	swait.ge [sflag:s24], $0x1  }
0x1b: {  	[sflag:s24] =	ssyncset.done $0x0  }
0x1c: {  	s26 =	simm.s32 $0x1B8E;
	s25 =	sld [smem:$0x3FFE];
	[sflag:s24] =	ssyncadd.s32 $0xFFFFFFFF  }
0x1d: {  	s27 =	simm.s32 $execute0_lowered;
	[smem:$0x3FD2] =	sst s26  }
0x1e: {  	s5 =	sshll.u32 s27, $0x1;
	_ =	strace $0x80000049;
	[dreg:$0x1] =	wrdreg $0xFFFFFFFF  }
0x1f: {  	s28 =	simm.s32 $_size_execute0_lowered;
	s3 =	sadd.s32 s3, s5;
	[dreg:$0x0] =	wrdreg $0x0  }
0x20: {  	s5 =	sshll.u32 s28, $0x1;
	[dreg:$0x2] =	wrdreg s3  }
0x21: {  	[dreg:$0x3] =	wrdreg s5  }
0x22: {  	[dreg:$0x4] =	wrdreg $0xC0  }
0x23: {  	_ =	task [dreg:s7], $0x5FFFF  }
0x24: {  	[dreg:$0x1] =	wrdreg $0xFFFFFFFF  }
0x25: {  	[dreg:$0x0] =	wrdreg $0x60  }
0x26: {  	[dreg:$0x2] =	wrdreg s25  }
0x27: {  	[dreg:$0x3] =	wrdreg s2  }
0x28: {  	[dreg:$0x4] =	wrdreg $0x9  }
0x29: {  	_ =	task.clear_ibuf [dreg:s7], $0x5FFFF;
	_ =	strace $0x90000049  }
0x2a: {  	s29 =	simm.s32 $0x9;
	_ =	strace $0x8000004B  }
0x2b: {  	_ =	swait.ge [sflag:s29], $0x1  }
0x2c: {  	[sflag:s29] =	ssyncadd.s32 $0xFFFFFFFF  }
0x2d: {  	_ =	strace $0x9000004B  }
0x2e: {  	_ =	sfence  }
0x2f: {  	s30 =	sld [smem:$0x0];
	_ =	sdelay $0x2  }
0x30: {  	s31 =	sshll.u32 s1, $0xD;
	s1 =	sshrl.u32 s1, $0x2  }
0x31: {  	s3 =	sand.u32 $0x4000, s31;
	s1 =	sadd.s32 s1, s30  }
0x32: {  	s0 =	sor.u32 s3, s0;
	s1 =	sshll.u32 s1, $0x11  }
0x33: {  	s0 =	sor.u32 s1, s0  }
0x34: {  	s0 =	sadd.s32 $0x8F2B, s0  }
0x35: {  	[sflag:s0] =	ssyncadd.remote.s32 $0x1  }
0x36: {  	_ =	sfence.sel $0xFFFF  }
0x37: {  	[dreg:$0x0] =	wrdreg $0xFFFFFFFF;
	(pc) =	sbr.abs _section_cstart, $3  }
0x38: {  	[dreg:$0x1] =	wrdreg $0xFFFFFFFF  }
0x39: {  	_ =	task.clear_ibuf [dreg:s7], $0x2FFFF;
	_ =	strace $0x9FFFFFFF  }
0x3a: {  	(tm) =	ssettm $0x7FFFFFFF  }
0x3b: {  	_ =	shalt  }
tec
execute0_lowered:
.L_overlay_start_1:
0x0: {  	(tag) =	ssettag $0x1  }
0x1: {  	s1 =	rddreg [dreg:$0x0];
	_ =	strace $0x8000004A  }
0x2: {  	s4 =	srdreg.scid;
	s0 =	stileid.u32;
	s7 =	simm.s32 $0x1  }
0x3: {  	s8 =	simm.s32 $0xA5;
	s9 =	simm.s32 $0x2;
	s20 =	simm.s32 $0x0  }
0x4: {  	s23 =	simm.s32 $0x0;
	s21 =	simm.s32 $0x0;
	s22 =	simm.s32 $0x0  }
0x5: {  	s12 =	simm.s32 $0x0;
	s13 =	simm.s32 $0x0;
	s2 =	simm.s32 $0x0  }
0x6: {  	s17 =	simm.s32 $0x0;
	s19 =	simm.s32 $0x0;
	s3 =	sadd.s32 $0xD9F800, s1  }
.Ltmp0:
0x7: {  	s6 =	sshll.u32 s4, $0x7;
	s4 =	sand.u32 $0x3, s0;
	(pc) =	sbr.rel .LBB1_1-.Ltmp0, $4  }
0x8: {  	s5 =	sshrl.u32 s0, $0x2;
	[sflag:s7] =	ssyncpa.u1 $0x0;
	s0 =	simm.s32 $0x0  }
0x9: {  	s6 =	sand.u32 $0x80, s6;
	p0 =	seq.s32 s5, $0x3;
	[sflag:s9] =	ssyncpa.u1 $0x0  }
0xa: {  	s16 =	smov.u32 s5;
	s18 =	smov.u32 s4;
	s8 =	simm.s32 @!p0 $0xA8  }
0xb: {  	s9 =	sshll.u32 s6, $0x3;
	p0 =	por $0x0, $0x0;
	s10 =	sadd.s32 $0x1, s8  }
.LBB1_4:
0xc: {  	s29 =	sshrl.u32 s0, $0x2  }
0xd: {  	s30 =	sshll.u32 s2, $0x2;
	s31 =	sshll.u32 s0, $0x7;
	s15 =	sand.u32 $0x7F, s2  }
0xe: {  	p1 =	sgt.s32 s0, $0x3;
	s28 =	sshra.s32 s28, $0x2;
	[tilespmem:s26+$0x2040 ss:$0x81] =	vst.msk $0xffff, v4;
	s29 =	smul.u32 $0x600, s29  }
0xf: {  	s1 =	sshra.s32 s0, $0x1F;
	s11 =	sshra.s32 s2, $0x1F;
	[tilespmem:s26+$0x2850 ss:$0x81] =	vst.msk $0xffff, v3;
	s30 =	sand.u32 $0xFFFFFE00, s30  }
0x10: {  	p3 =	sgt.s32 s12, $0x5F;
	[tilespmem:s26+$0x3060 ss:$0x81] =	vst.msk $0xffff, v2;
	s14 =	sand.u32 $0x180, s31;
	s29 =	sadd.s32 s29, s30  }
0x11: {  	[tilespmem:s26+$0x0 ss:$0x81] =	vst.msk $0xffff, v1;
	s26 =	smov.u32 s13;
	s1 =	sand.u32 s1, s0;
	s29 =	sor.u32 s14, s29  }
0x12: {  	s11 =	sand.u32 s11, s2;
	s27 =	sadd.s32 s28, s27;
	s30 =	sor.u32 s15, s29  }
0x13: {  	s14 =	smov.u32 s2;
	s15 =	smov.u32 s0;
	s31 =	smulhi.u32 $0xAAAAAAAB, s30  }
0x14: {  	s29 =	smulhi.u32 $0xAAAAAAAB, s29;
	s15 =	simm.s32 @!p1 $0x3;
	p1 =	sgt.s32 s2, $0x100  }
0x15: {  	s14 =	simm.s32 @!p1 $0x100;
	s1 =	ssub.s32 s15, s1;
	s31 =	sshrl.u32 s31, $0x8  }
0x16: {  	s11 =	ssub.s32 s14, s11;
	s15 =	sadd.s32 $0xFFFFFFFD, s1;
	s1 =	ssub.s32 $0x4, s1  }
0x17: {  	s31 =	smul.u32 $0x180, s31;
	p2 =	sgt.s32 s15, $0x0;
	s15 =	smov.u32 s12  }
0x18: {  	v5 =	vld [tilespmem:s25+$0xFFFFFFD0];
	s15 =	simm.s32 @!p3 $0x5F;
	s1 =	simm.s32 @p2 $0x0;
	p2 =	sgt.s32 s13, $0xDE  }
0x19: {  	v58 =	vld [tilespmem:s25+$0xFFFFFFE0];
	s14 =	ssub.s32 s30, s31;
	s31 =	sadd.s32 $0xFFFFFF00, s11;
	s15 =	ssub.s32 $0xDF, s15  }
0x1a: {  	v59 =	vld [tilespmem:s25+$0xFFFFFFF0];
	s30 =	sshra.s32 s13, $0x1F;
	s11 =	ssub.s32 $0x180, s11;
	s1 =	smul.u32 s15, s1  }
0x1b: {  	v60 =	vld [tilespmem:s25+$0x0];
	p1 =	sgt.s32 s31, $0x7F;
	s31 =	sshrl.u32 s29, $0x8;
	s29 =	smul.u32 $0xA740, s13  }
0x1c: {  	v61 =	vld [tilespmem:s25+$0x10];
	[tilespmem:s27+$0x3870 ss:$0x81] =	vst.msk $0xffff, v0;
	s26 =	simm.s32 @!p2 $0xDE;
	s15 =	sand.u32 s30, s13;
	s30 =	smul.u32 $0xC0, s12  }
0x1d: {  	v62 =	vld [tilespmem:s25+$0x20];
	[tilespmem:s27+$0x810 ss:$0x81] =	vst.msk $0xffff, v5;
	s11 =	simm.s32 @p1 $0x0;
	s15 =	ssub.s32 s26, s15;
	s26 =	sand.u32 $0x3, s31  }
0x1e: {  	v63 =	vld [tilespmem:s25+$0xFFFFFFC0];
	[tilespmem:s27+$0x1020 ss:$0x81] =	vst.msk $0xffff, v58;
	s31 =	rddreg [dreg:$0x1];
	s1 =	smul.u32 s11, s1;
	s28 =	sadd.s32 $0xFFFFFF22, s15  }
0x1f: {  	[tilespmem:s27+$0x1830 ss:$0x81] =	vst.msk $0xffff, v59;
	s15 =	ssub.s32 $0xDF, s15;
	s11 =	smul.u32 $0x30, s26;
	p1 =	sgt.s32 s28, $0x0  }
0x20: {  	[tilespmem:s27+$0x2040 ss:$0x81] =	vst.msk $0xffff, v60;
	s26 =	sadd.s32 s31, s29;
	s31 =	simm.s32 $0x600;
	s15 =	simm.s32 @p1 $0x0  }
0x21: {  	[tilespmem:s27+$0x2850 ss:$0x81] =	vst.msk $0xffff, v61;
	s26 =	sadd.s32 s30, s26;
	s28 =	sand.u32 $0x7, s14;
	s1 =	smul.u32 s15, s1  }
0x22: {  	[tilespmem:s27+$0x3060 ss:$0x81] =	vst.msk $0xffff, v62;
	s14 =	sshrl.u32 s14, $0x3;
	s11 =	sadd.s32 s11, s26;
	s29 =	sshll.u32 s28, $0x12  }
0x23: {  	[tilespmem:s27+$0x0 ss:$0x81] =	vst.msk $0xffff, v63;
	s11 =	sadd.s32 s14, s11;
	s30 =	sor.u32 $0x80, s29;
	s1 =	sand.u32 $0x3FFFFFFF, s1  }
0x24: {  	[hbm4b:s11+s30] =	stream.strided.scatter [tilespmem:s24], [sflag:$0x2], s1, s31, s30, $0x20;
	[tilespmem:$0x10100] =	vst v63  }
.LBB1_5:
0x25: {  	p1 =	slt.u32 s19, $0x2  }
0x26: {  	s1 =	smov.u32 s23;
	p2 =	sgt.s32 @!p1 s23, $0xDE;
	p3 =	sgt.s32 @!p1 s20, $0x5F  }
0x27: {  	s11 =	sshra.s32 @!p1 s23, $0x1F;
	s14 =	sshra.s32 @!p1 s22, $0x1F;
	p2 =	por !p2, p1  }
0x28: {  	s15 =	sshra.s32 @!p1 s21, $0x1F;
	s1 =	simm.s32 @p2 $0xDE;
	p2 =	por !p3, p1  }
0x29: {  	s11 =	sand.u32 @!p1 s11, s23;
	s20 =	simm.s32 @p2 $0x5F;
	p2 =	sgt.s32 @!p1 s22, $0x3  }
0x2a: {  	s1 =	ssub.s32 @!p1 s1, s11;
	s11 =	smov.u32 s22;
	p2 =	por !p2, p1  }
0x2b: {  	s14 =	sand.u32 @!p1 s14, s22;
	s11 =	simm.s32 @p2 $0x3;
	p2 =	sgt.s32 @!p1 s21, $0x100  }
0x2c: {  	s11 =	ssub.s32 @!p1 s11, s14;
	p2 =	por !p2, p1;
	s14 =	smov.u32 s21  }
0x2d: {  	s15 =	sand.u32 @!p1 s15, s21;
	s21 =	sadd.s32 @!p1 $0xFFFFFFFD, s11;
	s14 =	simm.s32 @p2 $0x100  }
0x2e: {  	s20 =	ssub.s32 @!p1 $0xDF, s20;
	p2 =	sgt.s32 @!p1 s21, $0x0;
	s14 =	ssub.s32 @!p1 s14, s15  }
0x2f: {  	s11 =	ssub.s32 @!p1 $0x4, s11;
	p2 =	por !p2, p1;
	s15 =	sadd.s32 @!p1 $0xFFFFFF00, s14  }
0x30: {  	s21 =	sadd.s32 @!p1 $0xFFFFFF22, s1;
	s11 =	simm.s32 @!p2 $0x0;
	p2 =	sgt.s32 @!p1 s15, $0x7F  }
0x31: {  	s14 =	ssub.s32 @!p1 $0x180, s14;
	p2 =	por !p2, p1;
	s11 =	smul.u32 @!p1 s20, s11  }
0x32: {  	s14 =	simm.s32 @!p2 $0x0;
	p2 =	sgt.s32 @!p1 s21, $0x0  }
0x33: {  	s1 =	ssub.s32 @!p1 $0xDF, s1;
	p2 =	por !p2, p1;
	s11 =	smul.u32 @!p1 s14, s11  }
0x34: {  	s1 =	simm.s32 @!p2 $0x0  }
0x35: {  	s25 =	smov.u32 s18;
	s1 =	smul.u32 @!p1 s1, s11;
	s11 =	sadd.s32 $0x4, s16  }
0x36: {  	s15 =	smov.u32 s17;
	s14 =	sadd.s32 $0x80, s17;
	p2 =	sgt.s32 s11, $0xDE  }
0x37: {  	s31 =	sadd.s32 $0x1, s19;
	p0 =	por !p0, !p0;
	s15 =	smov.u32 @p2 s14  }
0x38: {  	s11 =	smov.u32 @p2 s5;
	s14 =	sadd.s32 $0x4, s18;
	p2 =	sgt.s32 s15, $0x17F  }
0x39: {  	s24 =	simm.s32 @!p1 $0x2;
	s23 =	smov.u32 s13;
	s25 =	smov.u32 @p2 s14  }
0x3a: {  	s13 =	smov.u32 s16;
	s15 =	simm.s32 @p2 $0x0;
	p2 =	sgt.s32 s25, $0x3  }
0x3b: {  	s22 =	smov.u32 s0;
	s25 =	smov.u32 @p2 s4;
	p2 =	sne.s32 s19, s10  }
.Ltmp1:
0x3c: {  	s0 =	smov.u32 s18;
	s1 =	sand.u32 @!p1 $0x3FFFFFFF, s1;
	(pc) =	sbr.rel @!p2 .LBB1_6-.Ltmp1, $4  }
0x3d: {  	s20 =	smov.u32 s12;
	s12 =	smov.u32 s6;
	_ =	swait.ge @!p1 [sflag:s24], s1  }
0x3e: {  	s21 =	smov.u32 s2;
	s1 =	ssub.s32 @!p1 $0x0, s1;
	[sflag:s24] =	ssyncset.done @!p1 $0x0  }
0x3f: {  	s2 =	smov.u32 s17;
	s16 =	smov.u32 s11;
	[sflag:s24] =	ssyncadd.s32 @!p1 s1  }
0x40: {  	s17 =	smov.u32 s15;
	s19 =	smov.u32 s31;
	s18 =	smov.u32 s25  }
.LBB1_1:
0x41: {  	p1 =	sge.u32 s19, s8  }
0x42: {  	s24 =	sshll.u32 @!p1 s16, $0x8  }
0x43: {  	s25 =	sshll.u32 @!p1 s16, $0x7;
	s24 =	sand.u32 @!p1 $0xFFFFF800, s24  }
0x44: {  	s25 =	sand.u32 @!p1 $0x300, s25;
	s24 =	sor.u32 @!p1 s9, s24  }
0x45: {  	s24 =	sor.u32 @!p1 s25, s24  }
0x46: {  	s24 =	sshrl.u32 @!p1 s24, $0x8  }
0x47: {  	s25 =	smulhi.u32 @!p1 $0x124924A, s24  }
0x48: {  	s26 =	smul.u32 @!p1 $0x2A0000, s18  }
0x49: {  	s25 =	smul.u32 @!p1 $0xE0, s25  }
0x4a: {  	s31 =	sadd.s32 $0xFFFFFFFF, s19;
	s27 =	sxor.u32 @!p1 $0xFFFFFFFF, s19;
	s28 =	smul.u32 @!p1 $0x1C00, s17  }
0x4b: {  	s26 =	sadd.s32 @!p1 s3, s26;
	s24 =	ssub.s32 @!p1 s24, s25;
	s25 =	sshll.u32 @!p1 s16, $0x4  }
0x4c: {  	s27 =	sshll.u32 @!p1 s27, $0xE;
	s26 =	sadd.s32 @!p1 s28, s26;
	s25 =	sand.u32 @!p1 $0x10, s25  }
0x4d: {  	s27 =	sand.u32 @!p1 $0x4000, s27;
	s24 =	sshll.u32 @!p1 s24, $0x5;
	s25 =	sadd.s32 @!p1 s25, s26  }
0x4e: {  	s26 =	simm.s32 @!p1 $0xE000;
	s24 =	sadd.s32 @!p1 s24, s25;
	s25 =	simm.s32 @!p1 $0x80  }
0x4f: {  	[tilespmem:s27], [sflag:$0x1] =	stream.strided.gather @!p1 [hbm4b:s24+s25], $0x4000, s26, s25, $0x38;
	[tilespmem:$0x10100] =	vst v63  }
0x50: {  	p1 =	sge.u32 s31, s8  }
.Ltmp2:
0x51: {  	_ = 	snop;
	(pc) =	sbr.rel @p1 .LBB1_5-.Ltmp2, $1  }
0x52: {  	_ =	sdelay $0x3  }
0x53: {  	s24 =	simm.s32 $0x1  }
0x54: {  	_ =	swait.ge [sflag:s7], $0x4000;
	s24 =	simm.s32 @!p0 $0x0  }
0x55: {  	[sflag:s7] =	ssyncset.done $0x0;
	s25 =	sshll.u32 s24, $0xE  }
0x56: {  	[sflag:s7] =	ssyncadd.s32 $0xFFFFC000;
	s25 =	sor.u32 $0x40, s25  }
0x57: {  	s24 =	smul.u32 $0x10200, s24;
	v0 =	vld [tilespmem:s25+$0x30]  }
0x58: {  	v1 =	vld [tilespmem:s25+$0xFFFFFFD0]  }
0x59: {  	s24 =	sshrl.u32 s24, $0x2;
	v5 =	vld [tilespmem:s25+$0xFFFFFFE0]  }
0x5a: {  	v6 =	vld [tilespmem:s25+$0xFFFFFFF0];
	s27 =	sor.u32 $0x8000, s24  }
0x5b: {  	s31 =	sand.u32 $0x1, s19;
	v4 =	vld [tilespmem:s25+$0x0];
	s26 =	sadd.s32 $0x0, s27  }
0x5c: {  	v3 =	vld [tilespmem:s25+$0x10];
	s24 =	smul.u32 $0x10200, s31;
	[tilespmem:s26+$0x3870 ss:$0x81] =	vst.msk $0xffff, v0  }
0x5d: {  	v2 =	vld [tilespmem:s25+$0x20];
	[tilespmem:s26+$0x810 ss:$0x81] =	vst.msk $0xffff, v1  }
0x5e: {  	s24 =	sshrl.u32 s24, $0x2;
	v1 =	vld [tilespmem:s25+$0xFFFFFFC0];
	[tilespmem:s26+$0x1020 ss:$0x81] =	vst.msk $0xffff, v5;
	s25 =	sadd.s32 $0x80, s25  }
0x5f: {  	s28 =	simm.s32 $0x4;
	s29 =	simm.s32 $0x8;
	s24 =	sor.u32 $0x8000, s24;
	[tilespmem:s26+$0x1830 ss:$0x81] =	vst.msk $0xffff, v6;
	v0 =	vld [tilespmem:s25+$0x30]  }
.LBB1_3:
0x60: {  	p1 =	sne.s32 s29, $0x1FC;
	v5 =	vld [tilespmem:s25+$0xFFFFFFD0];
	[tilespmem:s26+$0x2040 ss:$0x81] =	vst.msk $0xffff, v4  }
0x61: {  	v6 =	vld [tilespmem:s25+$0xFFFFFFE0];
	[tilespmem:s26+$0x2850 ss:$0x81] =	vst.msk $0xffff, v3  }
0x62: {  	s30 =	sshra.s32 s28, $0x2;
	s28 =	smov.u32 s29;
	v7 =	vld [tilespmem:s25+$0xFFFFFFF0];
	[tilespmem:s26+$0x3060 ss:$0x81] =	vst.msk $0xffff, v2  }
.Ltmp3:
0x63: {  	v4 =	vld [tilespmem:s25+$0x0];
	[tilespmem:s26+$0x0 ss:$0x81] =	vst.msk $0xffff, v1;
	s26 =	sadd.s32 s30, s27;
	(pc) =	sbr.rel @p1 .LBB1_3-.Ltmp3, $4  }
0x64: {  	v3 =	vld [tilespmem:s25+$0x10];
	[tilespmem:s26+$0x3870 ss:$0x81] =	vst.msk $0xffff, v0  }
0x65: {  	[tilespmem:s26+$0x810 ss:$0x81] =	vst.msk $0xffff, v5;
	v2 =	vld [tilespmem:s25+$0x20]  }
0x66: {  	v1 =	vld [tilespmem:s25+$0xFFFFFFC0];
	[tilespmem:s26+$0x1020 ss:$0x81] =	vst.msk $0xffff, v6;
	s25 =	sadd.s32 $0x80, s25  }
0x67: {  	s29 =	sadd.s32 $0x4, s29;
	v0 =	vld [tilespmem:s25+$0x30];
	[tilespmem:s26+$0x1830 ss:$0x81] =	vst.msk $0xffff, v7  }
.Ltmp4:
0x68: {  	_ = 	snop;
	(pc) =	sbr.rel .LBB1_4-.Ltmp4, $1  }
0x69: {  	_ =	sdelay $0x3  }
.LBB1_6:
0x6a: {  	_ =	sfence.sel $0x180000  }
0x6b: {  	s0 =	simm.s32 $0x1;
	[bflag:$0x0] =	sbarrier.arrive $0xFFFF  }
0x6c: {  	s30 =	simm.s32 $0x2;
	[sflag:s0] =	ssyncpa.u1 $0x1  }
0x6d: {  	[sflag:s30] =	ssyncpa.u1 $0x1  }
0x6e: {  	_ =	strace $0x9000004A  }
0x6f: {  	s31 =	stileid.u32;
	[bflag:$0x2] =	sbarrier.arrive $0xFFFF  }
0x70: {  	p0 =	sne.s32 s31, $0x0;
	s0 =	rddreg [dreg:$0x2]  }
0x71: {  	s0 =	sadd.s32 @!p0 $0x100000, s0  }
0x72: {  	[sflag:s0] =	ssyncadd.tile.s32 @!p0 $0x1;
	_ =	shalt  }
.Lfunc_end1:
_tile_overlayer_lowered:
.L_overlay_start_2:
0x73: {  	(tag) =	ssettag $0x2  }
0x74: {  	s0 =	rddreg [dreg:$0x0];
	s2 =	stileid.u32  }
0x75: {  	s1 =	rddreg [dreg:$0x1];
	p0 =	sne.s32 s2, $0x0  }
0x76: {  	s3 =	rddreg [dreg:$0x2];
	[bflag:$0x3] =	sbarrier.arrive $0xFFFF;
	s2 =	simm.s32 @!p0 $0x1C01  }
0x77: {  	[timem:s3], [sflag:s2] =	dma.local @!p0 [hbm:s0], s1  }
0x78: {  	s0 =	simm.s32 @!p0 $0x1  }
0x79: {  	_ =	swait.ge @!p0 [sflag:s0], s1  }
0x7a: {  	s1 =	ssub.s32 @!p0 $0x0, s1;
	[sflag:s0] =	ssyncset.done @!p0 $0x0  }
0x7b: {  	[sflag:s0] =	ssyncadd.s32 @!p0 s1  }
0x7c: {  	[bflag:$0x3] =	sbarrier.arrive $0xFFFF  }
0x7d: {  	_ =	shalt  }

</sc_bundles>
